<compile_context>
chip_gen: v7x
topology: tpu7x:2x2x1
jax: 0.10.2.dev20260603
libtpu: 0.0.44.dev20260713+nightly
codegen_flags: <defaults>
</compile_context>

<pallas_src>
import functools

import jax
import jax.numpy as jnp
from jax import lax
from jax.experimental import pallas as pl
from jax.experimental.pallas import tpu as pltpu
from jax.experimental.pallas import tpu_sc as plsc

_D = 1024
_B = 4
_T = 8192
_ROWS = _B * _T
_NC = 2
_NS = 16
_RPW = _ROWS // (_NC * _NS)
_REP = 32
_SROWS = _NS * _REP


def _sc_body(emb_hbm, idx_hbm, out_hbm, idx_v, rows_v, shared, sem):
    cid = lax.axis_index("c")
    sid = lax.axis_index("s")
    pltpu.sync_copy(idx_hbm, idx_v)
    pltpu.async_copy(emb_hbm.at[idx_v], rows_v, sem).wait()
    pltpu.sync_copy(rows_v, shared.at[pl.ds(sid * _REP, _REP), :])
    plsc.subcore_barrier()
    wid = cid * _NS + sid
    copies = [
        pltpu.make_async_copy(
            shared, out_hbm.at[pl.ds(wid * _RPW + j * _SROWS, _SROWS), :], sem
        )
        for j in range(_RPW // _SROWS)
    ]
    for c in copies:
        c.start()
    for c in copies:
        c.wait()


_sc_bcast = functools.partial(
    pl.kernel,
    out_type=jax.ShapeDtypeStruct((_ROWS, _D), jnp.float32),
    mesh=plsc.VectorSubcoreMesh(
        core_axis_name="c", subcore_axis_name="s",
        num_cores=_NC, num_subcores=_NS,
    ),
    scratch_types=[
        pltpu.VMEM((_REP,), jnp.int32),
        pltpu.VMEM((_REP, _D), jnp.float32),
        pltpu.VMEM_SHARED((_SROWS, _D), jnp.float32),
        pltpu.SemaphoreType.DMA,
    ],
)(_sc_body)


def kernel(emb, m_index, B, T):
    del B, T
    idx = jnp.full((_REP,), m_index, dtype=jnp.int32)
    out = _sc_bcast(emb, idx)
    return out.reshape(_B, _T, _D)

# --- scband reference (transcript-rebuilt; emitter-appended) ---
"""Pipeline reference for scband-modality-embedding-45114336477538 (READ-ONLY COPY).

The authoritative reference and input builder live on the scoring server;
editing this copy changes nothing except your own understanding.
"""

import jax, jax.numpy as jnp
import numpy as np

NUM_MODALITIES = 8
D_MODEL = 1024

def setup_inputs(seed: int = 0) -> dict:
    key = jax.random.key(seed)
    emb = jax.random.normal(key, (NUM_MODALITIES, D_MODEL), dtype=jnp.float32) * 0.02
    return {"emb": emb, "m_index": 3, "B": 4, "T": 8192}

def reference(emb, m_index, B, T):
    # e = self.emb(torch.tensor([m_index]))  -> gather one row: [1, d_model]
    idx = jnp.array([m_index], dtype=jnp.int32)
    e = jnp.take(emb, idx, axis=0)  # [1, d_model]
    # e.unsqueeze(1).expand(B, T, -1) -> [B, T, d_model]
    unit = jnp.asarray(B * 0 + T * 0 + 1, dtype=emb.dtype)
    out = jnp.broadcast_to(e[:, None, :], (4, 8192, emb.shape[1])) * unit
    return out

if __name__ == "__main__":
    import jax
    _d = setup_inputs()
    print(jax.jit(kernel)(*tuple(_d.values())))

</pallas_src>

<mosaic_0001>
#map = affine_map<(d0, d1) -> (0, 0)>
#map1 = affine_map<(d0, d1) -> (0)>
module attributes {stable_mosaic.version = 14 : i64} {
  func.func @_sc_body(%arg0: i32, %arg1: i32, %arg2: memref<8x1024xf32, #tpu.memory_space<hbm>>, %arg3: memref<32xi32, #tpu.memory_space<hbm>>, %arg4: memref<32768x1024xf32, #tpu.memory_space<hbm>>, %arg5: memref<32xi32, #tpu.memory_space<vmem>>, %arg6: memref<32x1024xf32, #tpu.memory_space<vmem>>, %arg7: memref<512x1024xf32, #tpu.memory_space<vmem_shared>>, %arg8: memref<!tpu.dma_semaphore, #tpu.memory_space<semaphore_mem>>) attributes {dimension_semantics = [#tpu.dimension_semantics<core_parallel>, #tpu.dimension_semantics<subcore_parallel>], iteration_bounds = array<i64: 2, 16>, scalar_prefetch = 0 : i64, scratch_operands = 4 : i64, tpu.core_type = #tpu.core_type<sc_vector_subcore>, window_params = [{transform_indices = #map}, {transform_indices = #map1}, {transform_indices = #map}]} {
    "tpu.region"() ({
      %run_scoped3A = tpu.sem_alloc : memref<!tpu.dma_semaphore, #tpu.memory_space<semaphore_mem>>
      tpu.enqueue_dma source(%arg3 : memref<32xi32, #tpu.memory_space<hbm>>) target(%arg5 : memref<32xi32, #tpu.memory_space<vmem>>) target_semaphore(%run_scoped3A : memref<!tpu.dma_semaphore, #tpu.memory_space<semaphore_mem>>)
      tpu.wait_dma2 semaphore(%run_scoped3A : memref<!tpu.dma_semaphore, #tpu.memory_space<semaphore_mem>>) src(%arg3 : memref<32xi32, #tpu.memory_space<hbm>>) dst(%arg5 : memref<32xi32, #tpu.memory_space<vmem>>)
      tpu.yield
    }) : () -> ()
    %dma_start3A = arith.constant 0 : i32
    %dma_start3A_0 = arith.constant 0 : i32
    %dma_start3A_1 = tpu.memref_slice %arg2[%dma_start3A, %dma_start3A_0] : memref<8x1024xf32, #tpu.memory_space<hbm>> -> memref<8x1024xf32, #tpu.memory_space<hbm>>
    tpu.enqueue_indirect_dma source(%dma_start3A_1 : memref<8x1024xf32, #tpu.memory_space<hbm>>) target(%arg6 : memref<32x1024xf32, #tpu.memory_space<vmem>>) offsets(%arg5 : memref<32xi32, #tpu.memory_space<vmem>>) semaphore(%arg8 : memref<!tpu.dma_semaphore, #tpu.memory_space<semaphore_mem>>)
    %dma_wait3A = arith.constant 0 : i32
    %dma_wait3A_2 = arith.constant 0 : i32
    %dma_wait3A_3 = tpu.memref_slice %arg2[%dma_wait3A, %dma_wait3A_2] : memref<8x1024xf32, #tpu.memory_space<hbm>> -> memref<8x1024xf32, #tpu.memory_space<hbm>>
    tpu.wait_indirect_dma semaphore(%arg8 : memref<!tpu.dma_semaphore, #tpu.memory_space<semaphore_mem>>) src(%dma_wait3A_3 : memref<8x1024xf32, #tpu.memory_space<hbm>>) dst(%arg6 : memref<32x1024xf32, #tpu.memory_space<vmem>>)
    %mul3A = arith.constant 32 : i32
    %mul3A_4 = arith.muli %arg1, %mul3A : i32
    "tpu.region"() ({
      %run_scoped3A = tpu.sem_alloc : memref<!tpu.dma_semaphore, #tpu.memory_space<semaphore_mem>>
      %dma_start3A_23 = arith.constant 0 : i32
      %dma_start3A_24 = tpu.memref_slice %arg7[%mul3A_4, %dma_start3A_23] : memref<512x1024xf32, #tpu.memory_space<vmem_shared>> -> memref<32x1024xf32, #tpu.memory_space<vmem_shared>>
      %dma_start3A_25 = arith.constant 0 : i32
      %dma_start3A_26 = tpu.memref_slice %arg7[%mul3A_4, %dma_start3A_25] : memref<512x1024xf32, #tpu.memory_space<vmem_shared>> -> memref<32x1024xf32, #tpu.memory_space<vmem_shared>>
      tpu.enqueue_dma source(%arg6 : memref<32x1024xf32, #tpu.memory_space<vmem>>) target(%dma_start3A_26 : memref<32x1024xf32, #tpu.memory_space<vmem_shared>>) target_semaphore(%run_scoped3A : memref<!tpu.dma_semaphore, #tpu.memory_space<semaphore_mem>>)
      %dma_wait3A_27 = arith.constant 0 : i32
      %dma_wait3A_28 = tpu.memref_slice %arg7[%mul3A_4, %dma_wait3A_27] : memref<512x1024xf32, #tpu.memory_space<vmem_shared>> -> memref<32x1024xf32, #tpu.memory_space<vmem_shared>>
      %dma_wait3A_29 = arith.constant 0 : i32
      %dma_wait3A_30 = tpu.memref_slice %arg7[%mul3A_4, %dma_wait3A_29] : memref<512x1024xf32, #tpu.memory_space<vmem_shared>> -> memref<32x1024xf32, #tpu.memory_space<vmem_shared>>
      tpu.wait_dma2 semaphore(%run_scoped3A : memref<!tpu.dma_semaphore, #tpu.memory_space<semaphore_mem>>) src(%arg6 : memref<32x1024xf32, #tpu.memory_space<vmem>>) dst(%dma_wait3A_30 : memref<32x1024xf32, #tpu.memory_space<vmem_shared>>)
      tpu.yield
    }) : () -> ()
    %barrier3A = arith.constant 0 : index
    tpu.barrier barrier_id(%barrier3A)
    %mul3A_5 = arith.constant 16 : i32
    %mul3A_6 = arith.muli %arg0, %mul3A_5 : i32
    %add3A = arith.addi %mul3A_6, %arg1 : i32
    %mul3A_7 = arith.constant 1024 : i32
    %mul3A_8 = arith.muli %add3A, %mul3A_7 : i32
    %add3A_9 = arith.constant 0 : i32
    %add3A_10 = arith.addi %mul3A_8, %add3A_9 : i32
    %mul3A_11 = arith.constant 1024 : i32
    %mul3A_12 = arith.muli %add3A, %mul3A_11 : i32
    %add3A_13 = arith.constant 512 : i32
    %add3A_14 = arith.addi %mul3A_12, %add3A_13 : i32
    %dma_start3A_15 = arith.constant 0 : i32
    %dma_start3A_16 = tpu.memref_slice %arg4[%add3A_10, %dma_start3A_15] : memref<32768x1024xf32, #tpu.memory_space<hbm>> -> memref<512x1024xf32, #tpu.memory_space<hbm>>
    tpu.enqueue_dma source(%arg7 : memref<512x1024xf32, #tpu.memory_space<vmem_shared>>) target(%dma_start3A_16 : memref<512x1024xf32, #tpu.memory_space<hbm>>) target_semaphore(%arg8 : memref<!tpu.dma_semaphore, #tpu.memory_space<semaphore_mem>>)
    %dma_start3A_17 = arith.constant 0 : i32
    %dma_start3A_18 = tpu.memref_slice %arg4[%add3A_14, %dma_start3A_17] : memref<32768x1024xf32, #tpu.memory_space<hbm>> -> memref<512x1024xf32, #tpu.memory_space<hbm>>
    tpu.enqueue_dma source(%arg7 : memref<512x1024xf32, #tpu.memory_space<vmem_shared>>) target(%dma_start3A_18 : memref<512x1024xf32, #tpu.memory_space<hbm>>) target_semaphore(%arg8 : memref<!tpu.dma_semaphore, #tpu.memory_space<semaphore_mem>>)
    %dma_wait3A_19 = arith.constant 0 : i32
    %dma_wait3A_20 = tpu.memref_slice %arg4[%add3A_10, %dma_wait3A_19] : memref<32768x1024xf32, #tpu.memory_space<hbm>> -> memref<512x1024xf32, #tpu.memory_space<hbm>>
    tpu.wait_dma2 semaphore(%arg8 : memref<!tpu.dma_semaphore, #tpu.memory_space<semaphore_mem>>) src(%arg7 : memref<512x1024xf32, #tpu.memory_space<vmem_shared>>) dst(%dma_wait3A_20 : memref<512x1024xf32, #tpu.memory_space<hbm>>)
    %dma_wait3A_21 = arith.constant 0 : i32
    %dma_wait3A_22 = tpu.memref_slice %arg4[%add3A_14, %dma_wait3A_21] : memref<32768x1024xf32, #tpu.memory_space<hbm>> -> memref<512x1024xf32, #tpu.memory_space<hbm>>
    tpu.wait_dma2 semaphore(%arg8 : memref<!tpu.dma_semaphore, #tpu.memory_space<semaphore_mem>>) src(%arg7 : memref<512x1024xf32, #tpu.memory_space<vmem_shared>>) dst(%dma_wait3A_22 : memref<512x1024xf32, #tpu.memory_space<hbm>>)
    return
  }
}

</mosaic_0001>

<sc_bundles>
// kernel: kernel.3.cloned.1.call-start
scs
__scs_entry_jumppad:
0x0: {  	(pc) =	sbr.rel $0x88, $3  }
0x1: {  	(tag) =	ssettag $0x0;
	lr =	simm.s32 $0x1  }
0x2: {  	[smem:$0x3F9F] =	sst lr;
	_ =	strace $0xD0000000  }
0x3: {  	_ = 	snop  }
0x4: {  	_ = 	snop  }
0x5: {  	_ = 	snop  }
0x6: {  	_ = 	snop  }
0x7: {  	_ = 	snop  }
__scs_overlays_trampoline_lowered:
0x8: {  	[smem:$0x3FAE] =	sst s0  }
0x9: {  	[smem:$0x3FAF] =	sst s1  }
0xa: {  	[smem:$0x3FB0] =	sst s2  }
0xb: {  	[smem:$0x3FB1] =	sst s3  }
0xc: {  	[smem:$0x3FB2] =	sst s4  }
0xd: {  	[smem:$0x3FB3] =	sst s5  }
0xe: {  	[smem:$0x3FB4] =	sst s6  }
0xf: {  	[smem:$0x3FB5] =	sst s7  }
0x10: {  	[smem:$0x3FB6] =	sst s8  }
0x11: {  	[smem:$0x3FB7] =	sst s9;
	s0 =	simm.s32 @!p0 $0x0  }
0x12: {  	s1 =	sld [smem:$0x3F9D];
	s0 =	simm.s32 @p0 $0x1  }
0x13: {  	[smem:$0x3FB8] =	sst s0;
	s0 =	simm.s32 @!p1 $0x0  }
0x14: {  	s2 =	sld [smem:$0x3F9C];
	s0 =	simm.s32 @p1 $0x1  }
0x15: {  	[smem:$0x3FB9] =	sst s0;
	s0 =	simm.s32 @!p2 $0x0  }
0x16: {  	s3 =	sld [smem:$0x3FDB];
	s0 =	simm.s32 @p2 $0x1  }
0x17: {  	s4 =	simm.s32 $0x1BF5;
	[smem:$0x3FBB] =	sst s0  }
0x18: {  	s0 =	sld [smem:$0x3F9E];
	_ =	swait.ge [sflag:s4], $0x0  }
0x19: {  	s7 =	sld [smem:$0x3F9F]  }
0x1a: {  	s8 =	sadd.s32 $0xFFFFE003, lr  }
0x1b: {  	s9 =	sadd.s32 $0xFFFFFEF7, lr;
	s5 =	simm.s32 $0xFFFFFFFF;
	p2 =	slt.u32 s8, $0xFFFFF086  }
0x1c: {  	p1 =	slt.u32 s9, $0xF7A;
	s5 =	simm.s32 @!p2 $0x0  }
0x1d: {  	s5 =	simm.s32 @p1 $0x1;
	p0 =	seq.s32 s7, s2  }
0x1e: {  	s7 =	smul.u32 @!p0 $0xF7A, s2;
	p2 =	seq.s32 @!p0 s5, $0x0  }
0x1f: {  	s9 =	smul.u32 $0xF7A, s1;
	s8 =	simm.s32 @!p0 $0x1BF5;
	p2 =	por !p2, p0  }
0x20: {  	[sflag:s8] =	ssyncset.s32 @!p0 $0xFFFFF086;
	s6 =	sadd.s32 @!p0 s3, s7;
	s7 =	simm.s32 @!p0 $0x108  }
0x21: {  	s3 =	sadd.s32 s3, s9;
	s6 =	sadd.s32 @!p0 $0x88, s6;
	s7 =	simm.s32 @p2 $0x1082  }
0x22: {  	[simem:s7], [sflag:s8] =	dma.local @!p0 [hbm:s6], $0xF7A  }
0x23: {  	s9 =	sor.u32 $0xD0000000, s2;
	s6 =	simm.s32 $0x108;
	_ =	swait.ge @!p0 [sflag:s8], $0x0  }
0x24: {  	s3 =	sadd.s32 $0x88, s3;
	s6 =	simm.s32 @!p1 $0x1082;
	[sflag:s4] =	ssyncset.s32 $0xFFFFF086  }
0x25: {  	[simem:s6], [sflag:s4] =	dma.local [hbm:s3], $0xF7A  }
0x26: {  	[smem:$0x3F9F] =	sst s1;
	(tag) =	ssettag s2;
	_ =	strace s9  }
0x27: {  	s1 =	sld [smem:$0x3FAF]  }
0x28: {  	s2 =	sld [smem:$0x3FB0]  }
0x29: {  	s4 =	sld [smem:$0x3FB2]  }
0x2a: {  	p0 =	seq.s32 s5, $0x0;
	s5 =	sld [smem:$0x3FB3]  }
0x2b: {  	s6 =	sld [smem:$0x3FB4]  }
0x2c: {  	s7 =	sld [smem:$0x3FB5]  }
0x2d: {  	s3 =	simm.s32 $0x108;
	s8 =	sld [smem:$0x3FB6]  }
0x2e: {  	s3 =	simm.s32 @!p0 $0x1082;
	s9 =	sld [smem:$0x3FB7]  }
0x2f: {  	lr =	sadd.s32 s0, s3;
	s0 =	sld [smem:$0x3FAE]  }
0x30: {  	s3 =	sld [smem:$0x3FB1]  }
0x31: {  	[smem:$0x3FBA] =	sst s10  }
0x32: {  	s10 =	sld [smem:$0x3FB8];
	_ =	sdelay $0x3  }
0x33: {  	p0 =	seq.s32 s10, $0x1;
	s10 =	sld [smem:$0x3FBA];
	_ =	sdelay $0x3  }
0x34: {  	[smem:$0x3FBA] =	sst s10  }
0x35: {  	s10 =	sld [smem:$0x3FB9];
	_ =	sdelay $0x3  }
0x36: {  	p1 =	seq.s32 s10, $0x1;
	s10 =	sld [smem:$0x3FBA];
	_ =	sdelay $0x3  }
0x37: {  	[smem:$0x3FBA] =	sst s10  }
0x38: {  	s10 =	sld [smem:$0x3FBB]  }
0x39: {  	_ = 	snop;
	(pc) =	sbr.ind lr, $3  }
0x3a: {  	_ = 	snop  }
0x3b: {  	_ = 	snop  }
0x3c: {  	p2 =	seq.s32 s10, $0x1;
	s10 =	sld [smem:$0x3FBA]  }
0x3d: {  	_ =	shalt  }
0x3e: {  	_ =	shalt  }
0x3f: {  	_ =	shalt  }
0x40: {  	_ =	shalt  }
0x41: {  	_ =	shalt  }
0x42: {  	_ =	shalt  }
0x43: {  	_ =	shalt  }
0x44: {  	_ =	shalt  }
0x45: {  	_ =	shalt  }
0x46: {  	_ =	shalt  }
0x47: {  	_ =	shalt  }
0x48: {  	_ =	shalt  }
0x49: {  	_ =	shalt  }
0x4a: {  	_ =	shalt  }
0x4b: {  	_ =	shalt  }
0x4c: {  	_ =	shalt  }
0x4d: {  	_ =	shalt  }
0x4e: {  	_ =	shalt  }
0x4f: {  	_ =	shalt  }
0x50: {  	_ =	shalt  }
0x51: {  	_ =	shalt  }
0x52: {  	_ =	shalt  }
0x53: {  	_ =	shalt  }
0x54: {  	_ =	shalt  }
0x55: {  	_ =	shalt  }
0x56: {  	_ =	shalt  }
0x57: {  	_ =	shalt  }
0x58: {  	_ =	shalt  }
0x59: {  	_ =	shalt  }
0x5a: {  	_ =	shalt  }
0x5b: {  	_ =	shalt  }
0x5c: {  	_ =	shalt  }
0x5d: {  	_ =	shalt  }
0x5e: {  	_ =	shalt  }
0x5f: {  	_ =	shalt  }
0x60: {  	_ =	shalt  }
0x61: {  	_ =	shalt  }
0x62: {  	_ =	shalt  }
0x63: {  	_ =	shalt  }
0x64: {  	_ =	shalt  }
0x65: {  	_ =	shalt  }
0x66: {  	_ =	shalt  }
0x67: {  	_ =	shalt  }
0x68: {  	_ =	shalt  }
0x69: {  	_ =	shalt  }
0x6a: {  	_ =	shalt  }
0x6b: {  	_ =	shalt  }
0x6c: {  	_ =	shalt  }
0x6d: {  	_ =	shalt  }
0x6e: {  	_ =	shalt  }
0x6f: {  	_ =	shalt  }
0x70: {  	_ =	shalt  }
0x71: {  	_ =	shalt  }
0x72: {  	_ =	shalt  }
0x73: {  	_ =	shalt  }
0x74: {  	_ =	shalt  }
0x75: {  	_ =	shalt  }
0x76: {  	_ =	shalt  }
0x77: {  	_ =	shalt  }
0x78: {  	_ =	shalt  }
0x79: {  	_ =	shalt  }
0x7a: {  	_ =	shalt  }
0x7b: {  	_ =	shalt  }
0x7c: {  	_ =	shalt  }
0x7d: {  	_ =	shalt  }
0x7e: {  	_ =	shalt  }
0x7f: {  	_ =	shalt  }
0x80: {  	_ =	shalt  }
0x81: {  	_ =	shalt  }
0x82: {  	_ =	shalt  }
0x83: {  	_ =	shalt  }
0x84: {  	_ =	shalt  }
0x85: {  	_ =	shalt  }
0x86: {  	_ =	shalt  }
0x87: {  	_ =	shalt  }
.Lfunc_end0:
.L_simem_size_0:
called_computation_lowered:
.L_overlay_start_0:
0x88: {  	s2 =	sld [smem:$0x3FD9]  }
0x89: {  	s3 =	sld [smem:$0x3FFE];
	_ =	sdelay $0x1  }
0x8a: {  	s1 =	srdreg.scid  }
0x8b: {  	s0 =	sand.u32 $0x1, s1  }
0x8c: {  	s17 =	sshll.u32 s0, $0xA;
	s2 =	sadd.s32 s3, s2  }
0x8d: {  	s2 =	sadd.s32 s2, s17  }
0x8e: {  	[smem:$0x3FC6] =	sst s2  }
0x8f: {  	_ = 	snop  }
0x90: {  	s2 =	sld [smem:$0x3FC9]  }
0x91: {  	s18 =	sld [smem:$0x3FD0];
	(tm) =	ssettm $0x1  }
0x92: {  	s4 =	sld [smem:$0x3FFB];
	_ =	sdelay $0x3  }
0x93: {  	_ =	strace s4  }
0x94: {  	s4 =	sld [smem:$0x3FFC];
	_ =	sdelay $0x3  }
0x95: {  	_ =	strace s4  }
0x96: {  	s4 =	sld [smem:$0x3FFD];
	_ =	sdelay $0x3  }
0x97: {  	_ =	strace s4  }
0x98: {  	_ =	strace $0x8FFFFFFF  }
0x99: {  	s19 =	sld [smem:$0x3FDB];
	_ =	sdelay $0x1  }
0x9a: {  	s5 =	simm.s32 $_scs_section_size  }
0x9b: {  	s6 =	simm.s32 $_size__tile_overlayer_lowered;
	s7 =	simm.s32 $_tile_overlayer_lowered  }
0x9c: {  	s22 =	simm.s32 $0x1BFF;
	s21 =	sshll.u32 s7, $0x1;
	s4 =	sadd.s32 s5, s19  }
0x9d: {  	s8 =	simm.s32 $0x0;
	s20 =	sshll.u32 s6, $0x1;
	s6 =	sadd.s32 s21, s4  }
0x9e: {  	[timem:s8], [sflag:s22] =	dma.local [hbm:s6], s20  }
0x9f: {  	_ =	swait.ge [sflag:s22], s20  }
0xa0: {  	s5 =	ssub.s32 $0x0, s20;
	[sflag:s22] =	ssyncset.done $0x0  }
0xa1: {  	[sflag:s22] =	ssyncadd.s32 s5;
	_ =	sdelay $0x1  }
0xa2: {  	s23 =	simm.s32 $0x1B8B  }
0xa3: {  	_ =	swait.ge [sflag:s23], $0x1  }
0xa4: {  	[sflag:s23] =	ssyncset.done $0x0  }
0xa5: {  	s25 =	simm.s32 $0x1B8E;
	s24 =	sld [smem:$0x3FFE];
	[sflag:s23] =	ssyncadd.s32 $0xFFFFFFFF  }
0xa6: {  	s26 =	simm.s32 $execute0_lowered;
	[smem:$0x3FD2] =	sst s25  }
0xa7: {  	s6 =	sshll.u32 s26, $0x1;
	_ =	strace $0x80000046;
	[dreg:$0x1] =	wrdreg $0xFFFFFFFF  }
0xa8: {  	s28 =	simm.s32 $_size_execute0_lowered;
	s4 =	sadd.s32 s4, s6;
	[dreg:$0x0] =	wrdreg $0x0  }
0xa9: {  	s6 =	sshll.u32 s28, $0x1;
	[dreg:$0x2] =	wrdreg s4  }
0xaa: {  	[dreg:$0x3] =	wrdreg s6  }
0xab: {  	[dreg:$0x4] =	wrdreg $0xC0  }
0xac: {  	_ =	task [dreg:s8], $0x5FFFF  }
0xad: {  	[dreg:$0x1] =	wrdreg $0xFFFFFFFF  }
0xae: {  	[dreg:$0x0] =	wrdreg $0x60  }
0xaf: {  	[dreg:$0x2] =	wrdreg s2  }
0xb0: {  	[dreg:$0x3] =	wrdreg s24  }
0xb1: {  	[dreg:$0x4] =	wrdreg s18  }
0xb2: {  	[dreg:$0x5] =	wrdreg $0x80800  }
0xb3: {  	[dreg:$0x6] =	wrdreg $0x9  }
0xb4: {  	_ =	task.clear_ibuf [dreg:s8], $0x7FFFF;
	_ =	strace $0x90000046  }
0xb5: {  	s29 =	simm.s32 $0x9;
	_ =	strace $0x80000048  }
0xb6: {  	_ =	swait.ge [sflag:s29], $0x1  }
0xb7: {  	[sflag:s29] =	ssyncadd.s32 $0xFFFFFFFF  }
0xb8: {  	_ =	strace $0x90000048  }
0xb9: {  	_ =	sfence  }
0xba: {  	s30 =	sld [smem:$0x0];
	_ =	sdelay $0x2  }
0xbb: {  	s31 =	sshll.u32 s1, $0xD;
	s1 =	sshrl.u32 s1, $0x2  }
0xbc: {  	s3 =	sand.u32 $0x4000, s31;
	s1 =	sadd.s32 s1, s30  }
0xbd: {  	s0 =	sor.u32 s3, s0;
	s1 =	sshll.u32 s1, $0x11  }
0xbe: {  	s0 =	sor.u32 s1, s0  }
0xbf: {  	s0 =	sadd.s32 $0x8F2B, s0  }
0xc0: {  	[sflag:s0] =	ssyncadd.remote.s32 $0x1  }
0xc1: {  	_ =	sfence.sel $0xFFFF  }
0xc2: {  	[dreg:$0x0] =	wrdreg $0xFFFFFFFF;
	(pc) =	sbr.abs _section_cstart, $3  }
0xc3: {  	[dreg:$0x1] =	wrdreg $0xFFFFFFFF  }
0xc4: {  	_ =	task.clear_ibuf [dreg:s8], $0x2FFFF;
	_ =	strace $0x9FFFFFFF  }
0xc5: {  	(tm) =	ssettm $0x7FFFFFFF  }
tec
execute0_lowered:
.L_overlay_start_1:
0x0: {  	(tag) =	ssettag $0x1  }
0x1: {  	s1 =	rddreg [dreg:$0x0]  }
0x2: {  	s4 =	rddreg [dreg:$0x1]  }
0x3: {  	s6 =	rddreg [dreg:$0x2]  }
0x4: {  	s2 =	rddreg [dreg:$0x3]  }
0x5: {  	s0 =	rddreg [dreg:$0x4]  }
0x6: {  	s3 =	simm.s32 $0x0;
	s5 =	srdreg.scid;
	s11 =	simm.s32 $0x80  }
0x7: {  	s12 =	simm.s32 $0x880;
	s13 =	simm.s32 $0x1080;
	s14 =	simm.s32 $0x1880  }
0x8: {  	s15 =	simm.s32 $0x2080;
	s16 =	simm.s32 $0x2880;
	s17 =	simm.s32 $0x3080  }
0x9: {  	s18 =	simm.s32 $0x3880;
	s19 =	simm.s32 $0x4080;
	s20 =	simm.s32 $0x4880  }
0xa: {  	s21 =	simm.s32 $0x5080;
	s22 =	simm.s32 $0x5880;
	s23 =	simm.s32 $0x6080  }
0xb: {  	s24 =	simm.s32 $0x6880;
	s25 =	simm.s32 $0x7080;
	[smem:$0x7FF] =	sst s3  }
0xc: {  	s4 =	sadd.s32 $0x400, s4;
	s5 =	sand.u32 $0x1, s5;
	_ =	strace $0x80000047  }
0xd: {  	[dreg:$0x5] =	wrdreg s4;
	s4 =	stileid.u32;
	s7 =	ssub.s32 $0x2, s5  }
0xe: {  	s28 =	simm.s32 $0x1;
	s8 =	sshrl.u32 s7, $0x1;
	s9 =	sshll.u32 s4, $0x11  }
0xf: {  	s5 =	sshll.u32 s5, $0x15;
	s10 =	ssub.s32 s7, s8;
	s26 =	sshrl.u32 s9, $0x2  }
0x10: {  	s29 =	sor.u32 s9, s5;
	s5 =	sadd.s32 $0x100, s1;
	s7 =	sadd.s32 $0x200, s1  }
0x11: {  	v2 =	vlaneseq.u32;
	s8 =	sadd.s32 $0x300, s1;
	s30 =	sadd.s32 s26, s2;
	s6 =	sadd.s32 s6, s29  }
0x12: {  	vm0 =	vmmov $0xffff;
	v1 =	vshrl.u32 v2, $0x3;
	s9 =	smax.u32 s10, $0x1;
	[dreg:$0x6] =	wrdreg s30;
	s31 =	sadd.s32 $0x10000, s6  }
0x13: {  	v0 =	vand.u32 $0x7, v2;
	v2 =	vor.u32 $0x8, v2;
	v1 =	vmul.u32 $0x8, v1;
	s10 =	simm.s32 $0x2;
	s26 =	simm.s32 $0x7880;
	[dreg:$0x7] =	wrdreg s31  }
.LBB2_1:
0x14: {  	s29 =	rddreg [dreg:$0x5]  }
0x15: {  	[tilespmem:s3], [sflag:$0x2] =	stream.linear.gather [hbm4b:s29+s3], $0x80, $0x38;
	[tilespmem:$0x10080] =	vst v63  }
0x16: {  	_ =	swait.ge [sflag:s10], $0x80  }
0x17: {  	[sflag:s10] =	ssyncset.done $0x0  }
0x18: {  	[sflag:s10] =	ssyncadd.s32 $0xFFFFFF80  }
0x19: {  	v3 =	vld [tilespmem:$0x0];
	_ =	sdelay $0x4  }
0x1a: {  	v4 =	vshll.u32 v3, $0x3  }
0x1b: {  	v3 =	vand.u32 $0x7, v3;
	v4 =	vand.u32 $0xFFFFFFC0, v4  }
0x1c: {  	v3 =	vor.u32 v3, v4  }
0x1d: {  	v4 =	vperm.xlane v3, v0;
	_ =	sdelay $0x1  }
0x1e: {  	v4 =	vadd.s32 v1, v4;
	_ =	sdelay $0x4  }
0x1f: {  	[tilespmem:s11], [sflag:$0x1] =	stream.indirect_vreg.gather [hbm4b:s1+s3], $0x80, v4, vm0, $0xb8;
	[tilespmem:$0x10080] =	vst v63  }
0x20: {  	v3 =	vperm.xlane v3, v2  }
0x21: {  	[tilespmem:s12], [sflag:$0x1] =	stream.indirect_vreg.gather [hbm4b:s5+s3], $0x80, v4, vm0, $0xb8;
	[tilespmem:$0x10080] =	vst v63  }
0x22: {  	v3 =	vadd.s32 v1, v3  }
0x23: {  	[tilespmem:s13], [sflag:$0x1] =	stream.indirect_vreg.gather [hbm4b:s7+s3], $0x80, v4, vm0, $0xb8;
	[tilespmem:$0x10080] =	vst v63  }
0x24: {  	_ = 	snop  }
0x25: {  	[tilespmem:s14], [sflag:$0x1] =	stream.indirect_vreg.gather [hbm4b:s8+s3], $0x80, v4, vm0, $0xb8;
	[tilespmem:$0x10080] =	vst v63  }
0x26: {  	_ = 	snop  }
0x27: {  	[tilespmem:s15], [sflag:$0x1] =	stream.indirect_vreg.gather [hbm4b:s1+s3], $0x80, v3, vm0, $0xb8;
	[tilespmem:$0x10080] =	vst v63  }
0x28: {  	_ = 	snop  }
0x29: {  	[tilespmem:s16], [sflag:$0x1] =	stream.indirect_vreg.gather [hbm4b:s5+s3], $0x80, v3, vm0, $0xb8;
	[tilespmem:$0x10080] =	vst v63  }
0x2a: {  	_ = 	snop  }
0x2b: {  	[tilespmem:s17], [sflag:$0x1] =	stream.indirect_vreg.gather [hbm4b:s7+s3], $0x80, v3, vm0, $0xb8;
	[tilespmem:$0x10080] =	vst v63  }
0x2c: {  	_ = 	snop  }
0x2d: {  	[tilespmem:s18], [sflag:$0x1] =	stream.indirect_vreg.gather [hbm4b:s8+s3], $0x80, v3, vm0, $0xb8;
	[tilespmem:$0x10080] =	vst v63  }
0x2e: {  	v3 =	vld [tilespmem:$0x10];
	_ =	sdelay $0x4  }
0x2f: {  	v63 =	vshll.u32 v3, $0x3  }
0x30: {  	v3 =	vand.u32 $0x7, v3;
	v4 =	vand.u32 $0xFFFFFFC0, v63  }
0x31: {  	v3 =	vor.u32 v3, v4  }
0x32: {  	v4 =	vperm.xlane v3, v0;
	_ =	sdelay $0x1  }
0x33: {  	v4 =	vadd.s32 v1, v4;
	_ =	sdelay $0x4  }
0x34: {  	[tilespmem:s19], [sflag:$0x1] =	stream.indirect_vreg.gather [hbm4b:s1+s3], $0x80, v4, vm0, $0xb8;
	[tilespmem:$0x10080] =	vst v63  }
0x35: {  	v3 =	vperm.xlane v3, v2  }
0x36: {  	[tilespmem:s20], [sflag:$0x1] =	stream.indirect_vreg.gather [hbm4b:s5+s3], $0x80, v4, vm0, $0xb8;
	[tilespmem:$0x10080] =	vst v63  }
0x37: {  	v3 =	vadd.s32 v1, v3  }
0x38: {  	[tilespmem:s21], [sflag:$0x1] =	stream.indirect_vreg.gather [hbm4b:s7+s3], $0x80, v4, vm0, $0xb8;
	[tilespmem:$0x10080] =	vst v63  }
0x39: {  	_ = 	snop  }
0x3a: {  	[tilespmem:s22], [sflag:$0x1] =	stream.indirect_vreg.gather [hbm4b:s8+s3], $0x80, v4, vm0, $0xb8;
	[tilespmem:$0x10080] =	vst v63  }
0x3b: {  	_ = 	snop  }
0x3c: {  	[tilespmem:s23], [sflag:$0x1] =	stream.indirect_vreg.gather [hbm4b:s1+s3], $0x80, v3, vm0, $0xb8;
	[tilespmem:$0x10080] =	vst v63  }
0x3d: {  	_ = 	snop  }
0x3e: {  	[tilespmem:s24], [sflag:$0x1] =	stream.indirect_vreg.gather [hbm4b:s5+s3], $0x80, v3, vm0, $0xb8;
	[tilespmem:$0x10080] =	vst v63  }
0x3f: {  	_ = 	snop  }
0x40: {  	[tilespmem:s25], [sflag:$0x1] =	stream.indirect_vreg.gather [hbm4b:s7+s3], $0x80, v3, vm0, $0xb8;
	[tilespmem:$0x10080] =	vst v63  }
0x41: {  	_ = 	snop  }
0x42: {  	[tilespmem:s26], [sflag:$0x1] =	stream.indirect_vreg.gather [hbm4b:s8+s3], $0x80, v3, vm0, $0xb8;
	[tilespmem:$0x10080] =	vst v63  }
0x43: {  	_ =	swait.ge [sflag:s28], $0x8000  }
0x44: {  	[sflag:s28] =	ssyncset.done $0x0  }
0x45: {  	s30 =	rddreg [dreg:$0x6];
	[sflag:s28] =	ssyncadd.s32 $0xFFFF8000  }
0x46: {  	[spmem:s30] =	stream.linear.scatter [tilespmem:s11], [sflag:$0x2], $0x8000, $0x38;
	[tilespmem:$0x10080] =	vst v63  }
0x47: {  	_ =	swait.ge [sflag:s10], $0x8000  }
0x48: {  	[sflag:s10] =	ssyncset.done $0x0  }
0x49: {  	s31 =	sshll.u32 s4, $0x6;
	[sflag:s10] =	ssyncadd.s32 $0xFFFF8000  }
0x4a: {  	s29 =	sor.u32 $0x1C01, s31;
	s30 =	sshrl.u32 s2, $0x3;
	[bflag:$0x0] =	sbarrier.arrive $0xFFFF  }
0x4b: {  	[hbm:s6], [sflag:s29] =	dma.local [spmem:s30], $0x10000  }
0x4c: {  	s31 =	rddreg [dreg:$0x7]  }
0x4d: {  	[hbm:s31], [sflag:s29] =	dma.local [spmem:s30], $0x10000  }
0x4e: {  	p0 =	sne.s32 s9, $0x1;
	_ =	swait.ge [sflag:s28], $0x10000  }
.Ltmp0:
0x4f: {  	[sflag:s28] =	ssyncset.done $0x0;
	(pc) =	sbr.rel @p0 .LBB2_1-.Ltmp0, $4  }
0x50: {  	[sflag:s28] =	ssyncadd.s32 $0xFFFF0000  }
0x51: {  	_ =	swait.ge [sflag:s28], $0x10000  }
0x52: {  	[sflag:s28] =	ssyncset.done $0x0  }
0x53: {  	s9 =	sadd.s32 $0xFFFFFFFF, s9;
	[sflag:s28] =	ssyncadd.s32 $0xFFFF0000  }
0x54: {  	_ =	sfence.sel $0x180000  }
0x55: {  	[bflag:$0x0] =	sbarrier.arrive $0xFFFF  }
0x56: {  	p0 =	sne.s32 s4, $0x0;
	_ =	strace $0x90000047  }
0x57: {  	s0 =	sadd.s32 @!p0 $0x100000, s0;
	[bflag:$0x2] =	sbarrier.arrive $0xFFFF  }
0x58: {  	[sflag:s0] =	ssyncadd.tile.s32 @!p0 $0x1;
	_ =	shalt  }
.Lfunc_end2:
_tile_overlayer_lowered:
.L_overlay_start_2:
0x59: {  	(tag) =	ssettag $0x2  }
0x5a: {  	s0 =	rddreg [dreg:$0x0];
	s2 =	stileid.u32  }
0x5b: {  	s1 =	rddreg [dreg:$0x1];
	p0 =	sne.s32 s2, $0x0  }
0x5c: {  	s3 =	rddreg [dreg:$0x2];
	[bflag:$0x3] =	sbarrier.arrive $0xFFFF;
	s2 =	simm.s32 @!p0 $0x1C02  }
0x5d: {  	[timem:s3], [sflag:s2] =	dma.local @!p0 [hbm:s0], s1  }
0x5e: {  	s0 =	simm.s32 @!p0 $0x2  }
0x5f: {  	_ =	swait.ge @!p0 [sflag:s0], s1  }
0x60: {  	s1 =	ssub.s32 @!p0 $0x0, s1;
	[sflag:s0] =	ssyncset.done @!p0 $0x0  }
0x61: {  	[sflag:s0] =	ssyncadd.s32 @!p0 s1  }
0x62: {  	[bflag:$0x3] =	sbarrier.arrive $0xFFFF  }
0x63: {  	_ =	shalt  }

</sc_bundles>
